<compile_context>
chip_gen: v7x
topology: tpu7x:2x2x1
jax: 0.10.2.dev20260603
libtpu: 0.0.44.dev20260713+nightly
codegen_flags: <defaults>
</compile_context>

<pallas_src>
import functools

import jax
import jax.numpy as jnp
from jax import lax
from jax.experimental import pallas as pl
from jax.experimental.pallas import tpu as pltpu
from jax.experimental.pallas import tpu_sc as plsc

B = 16
L = 2048
N = 64
CHUNK = 64
HALF = L // 2
NCHUNK = HALF // CHUNK
NORM_EVERY = 8


def _partition_body(emf_ref, emb_ref, trans_ref, head_ref, tail_ref, len_ref,
                    out_ref, x_ref, m_ref, mb_ref, pexp_ref, pm_ref,
                    w_ref, etail_ref, et128_ref, ef_ref, eb_ref):
    c = pl.program_id(0)
    lens = len_ref[...]
    lane = jax.lax.broadcasted_iota(jnp.int32, (1, 2 * N), 1)
    up_mask = lane >= N

    @pl.when(c == 0)
    def _init():
        tr = trans_ref[...]
        z = jnp.zeros((N, N), jnp.bfloat16)
        eT = jnp.exp(tr).astype(jnp.bfloat16)
        eTT = jnp.exp(tr.T).astype(jnp.bfloat16)
        w_ref[...] = jnp.concatenate(
            [jnp.concatenate([eT, z], axis=1),
             jnp.concatenate([z, eTT], axis=1)], axis=0)
        et = jnp.exp(tail_ref[...])
        etail_ref[...] = jnp.concatenate(
            [et, jnp.zeros((1, N), jnp.float32)], axis=1)
        et128 = jnp.concatenate([jnp.ones((1, N), jnp.float32), et], axis=1)
        et128_ref[...] = et128.astype(jnp.bfloat16)
        a0 = jnp.exp(emf_ref[:, 0, :] + head_ref[...])
        x_ref[...] = jnp.concatenate(
            [a0, jnp.broadcast_to(et, (B, N))], axis=1).astype(jnp.bfloat16)
        m_ref[...] = jnp.zeros_like(m_ref)
        mb_ref[...] = jnp.zeros_like(mb_ref)
        pexp_ref[...] = jnp.ones_like(pexp_ref)
        pm_ref[...] = jnp.zeros_like(pm_ref)

    ef_ref[...] = jnp.exp(
        jnp.transpose(emf_ref[...], (1, 0, 2))).astype(jnp.bfloat16)
    eb_ref[...] = jnp.exp(
        jnp.transpose(emb_ref[...], (1, 0, 2))).astype(jnp.bfloat16)

    w = w_ref[...]
    capsel = etail_ref[...]
    et128 = et128_ref[...]
    x = x_ref[...]
    m = m_ref[...]
    mb = mb_ref[...]
    pexp = pexp_ref[...]
    pm = pm_ref[...]
    onesBN = jnp.ones((B, N), jnp.bfloat16)
    scale_vec = None
    log_sa = log_sb = None

    for s in range(CHUNK):
        i = c * CHUNK + s
        pre_s = jnp.concatenate([onesBN, eb_ref[CHUNK - 1 - s]], axis=1)
        post_s = jnp.concatenate(
            [ef_ref[s], onesBN], axis=1).astype(jnp.float32)
        if scale_vec is not None:
            post_s = post_s * scale_vec
        xp = x * pre_s
        upd = jax.lax.dot_general(
            xp, w, (((1,), (0,)), ((), ())),
            preferred_element_type=jnp.float32)
        upd = (upd * post_s).astype(jnp.bfloat16)
        if scale_vec is not None:
            m = m + log_sa
            mb = mb + log_sb
            scale_vec = None
        if s == 0:
            upd = jnp.where((i == 0) & jnp.logical_not(up_mask), x, upd)
        predb = lens == (L - 1 - i)
        x = jnp.where(predb & up_mask, et128, upd)
        mb = jnp.where(predb, 0.0, mb)
        xf = x.astype(jnp.float32)
        dotv = jnp.sum(xf * capsel, axis=1, keepdims=True)
        pred = lens == (i + 1)
        pexp = jnp.where(pred, dotv, pexp)
        pm = jnp.where(pred, m, pm)
        if s % NORM_EVERY == NORM_EVERY - 2:
            sa = jnp.max(jnp.where(up_mask, 0.0, xf), axis=1, keepdims=True)
            sb = jnp.max(jnp.where(up_mask, xf, 0.0), axis=1, keepdims=True)
            log_sa = jnp.log(sa)
            log_sb = jnp.log(sb)
            scale_vec = jnp.where(up_mask, 1.0 / sb, 1.0 / sa)

    x_ref[...] = x
    m_ref[...] = m
    mb_ref[...] = mb
    pexp_ref[...] = pexp
    pm_ref[...] = pm

    @pl.when(c == NCHUNK - 1)
    def _fin():
        xf = x_ref[...].astype(jnp.float32)
        prod = xf[:, :N] * xf[:, N:]
        bridge = jnp.sum(prod, axis=1, keepdims=True)
        plong = m_ref[...] + mb_ref[...] + jnp.log(bridge)
        pshort = pm_ref[...] + jnp.log(pexp_ref[...])
        out_ref[...] = jnp.where(lens > HALF, plong, pshort)


@functools.partial(jax.jit, static_argnames=("interpret",))
def _partitions_tc(em3, trans, head, tail, lengths, interpret=False):
    nblk = L // CHUNK
    return pl.pallas_call(
        _partition_body,
        grid=(NCHUNK,),
        in_specs=[
            pl.BlockSpec((B, CHUNK, N), lambda c: (0, c, 0)),
            pl.BlockSpec((B, CHUNK, N), lambda c: (0, nblk - 1 - c, 0)),
            pl.BlockSpec((N, N), lambda c: (0, 0)),
            pl.BlockSpec((1, N), lambda c: (0, 0)),
            pl.BlockSpec((1, N), lambda c: (0, 0)),
            pl.BlockSpec((B, 1), lambda c: (0, 0)),
        ],
        out_specs=pl.BlockSpec((B, 1), lambda c: (0, 0)),
        out_shape=jax.ShapeDtypeStruct((B, 1), jnp.float32),
        scratch_shapes=[
            pltpu.VMEM((B, 2 * N), jnp.bfloat16),
            pltpu.VMEM((B, 1), jnp.float32),
            pltpu.VMEM((B, 1), jnp.float32),
            pltpu.VMEM((B, 1), jnp.float32),
            pltpu.VMEM((B, 1), jnp.float32),
            pltpu.VMEM((2 * N, 2 * N), jnp.bfloat16),
            pltpu.VMEM((1, 2 * N), jnp.float32),
            pltpu.VMEM((1, 2 * N), jnp.bfloat16),
            pltpu.VMEM((CHUNK, B, N), jnp.bfloat16),
            pltpu.VMEM((CHUNK, B, N), jnp.bfloat16),
        ],
        interpret=interpret,
    )(em3, em3, trans, head, tail, lengths)


HALF_L = L // 2


def _scores_sc_body(em_hbm, tags_hbm, lens_hbm, trans_hbm, head_hbm, tail_hbm,
                    out_hbm, em_v, tags_v, trans_v, ht_v, lens_v, out_v):
    wid = lax.axis_index("s") * 2 + lax.axis_index("c")
    b = wid // 2
    half = wid % 2
    t0 = half * HALF_L
    pltpu.sync_copy(em_hbm.at[b, pl.ds(t0 * N, HALF_L * N)], em_v)
    pltpu.sync_copy(tags_hbm.at[b], tags_v)
    pltpu.sync_copy(trans_hbm, trans_v)
    pltpu.sync_copy(head_hbm, ht_v.at[pl.ds(0, N)])
    pltpu.sync_copy(tail_hbm, ht_v.at[pl.ds(N, N)])
    pltpu.sync_copy(lens_hbm, lens_v.at[pl.ds(0, B)])

    lane = lax.iota(jnp.int32, 16)
    lenb = plsc.bitcast(
        plsc.load_gather(lens_v, [jnp.full((16,), b, jnp.int32)]), jnp.int32)
    zero = jnp.zeros((16,), jnp.float32)

    def body(i, carry):
        acc_em, acc_tr = carry
        tl = i * 16 + lane
        tg = tl + t0
        tagv = plsc.bitcast(plsc.load_gather(tags_v, [tg]), jnp.int32)
        prev = plsc.bitcast(
            plsc.load_gather(tags_v, [jnp.maximum(tg - 1, 0)]), jnp.int32)
        emv = plsc.load_gather(em_v, [tl * N + tagv])
        trv = plsc.load_gather(trans_v, [prev * N + tagv])
        m_em = tg < lenb
        m_tr = (tg >= 1) & (tg < lenb)
        acc_em = acc_em + jnp.where(m_em, emv, 0.0)
        acc_tr = acc_tr + jnp.where(m_tr, trv, 0.0)
        return acc_em, acc_tr

    acc_em, acc_tr = lax.fori_loop(0, HALF_L // 16, body, (zero, zero))
    total = acc_em + acc_tr

    halfv = jnp.full((16,), half, jnp.int32)
    lane0 = lane == 0
    tag0 = plsc.bitcast(
        plsc.load_gather(tags_v, [jnp.zeros((16,), jnp.int32)]), jnp.int32)
    headv = plsc.load_gather(ht_v, [tag0])
    total = total + jnp.where(lane0 & (halfv == 0), headv, 0.0)
    ttail = lenb - 1
    cover = (ttail >= t0) & (ttail < t0 + HALF_L)
    tagt = plsc.bitcast(plsc.load_gather(tags_v, [ttail]), jnp.int32)
    tailv = plsc.load_gather(ht_v, [N + tagt])
    total = total + jnp.where(lane0 & cover, tailv, 0.0)

    out_v[...] = total
    pltpu.sync_copy(out_v, out_hbm.at[b, half])


@jax.jit
def _scores_sc(em, tg, lens, trans, head, tail):
    k = pl.kernel(
        _scores_sc_body,
        out_type=jax.ShapeDtypeStruct((B, 2, 16), jnp.float32),
        mesh=plsc.VectorSubcoreMesh(core_axis_name="c", subcore_axis_name="s"),
        compiler_params=pltpu.CompilerParams(needs_layout_passes=False),
        scratch_types=[
            pltpu.VMEM((HALF_L * N,), jnp.float32),
            pltpu.VMEM((L,), jnp.float32),
            pltpu.VMEM((N * N,), jnp.float32),
            pltpu.VMEM((2 * N,), jnp.float32),
            pltpu.VMEM((128,), jnp.float32),
            pltpu.VMEM((16,), jnp.float32),
        ],
    )
    return k(em, tg, lens, trans, head, tail)


def _scores_jax(emissions, tags, lengths, transitions, head_transitions, tail_transitions):
    em = emissions[:, :, 0, :]
    tg = tags[:, :, 0]
    em_sc = jnp.take_along_axis(em, tg[..., None], axis=-1)[..., 0]
    tr_sc = transitions[0, 0][tg[:, :-1], tg[:, 1:]]
    head_sc = head_transitions[0, 0][tg[:, 0]]
    tail_tag = tg[jnp.arange(B), lengths - 1]
    tail_sc = tail_transitions[0, 0][tail_tag]
    mask = (jnp.arange(L)[None, :] < lengths[:, None]).astype(jnp.float32)
    mask_tr = (jnp.arange(1, L)[None, :] < lengths[:, None]).astype(jnp.float32)
    tot = jnp.sum(em_sc * mask, axis=1) + jnp.sum(tr_sc * mask_tr, axis=1)
    return (tot + head_sc + tail_sc)[:, None]


def kernel(emissions, tags, lengths, transitions, head_transitions, tail_transitions):
    em3 = emissions[:, :, 0, :]
    trans = transitions[0, 0]
    head = head_transitions[0]
    tail = tail_transitions[0]
    lens2 = lengths[:, None].astype(jnp.int32)
    sc_part = _scores_sc(em3.reshape(B, L * N),
                         lax.bitcast_convert_type(
                             tags[:, :, 0].astype(jnp.int32), jnp.float32),
                         lax.bitcast_convert_type(
                             lengths.astype(jnp.int32), jnp.float32),
                         trans.reshape(N * N),
                         head_transitions[0, 0], tail_transitions[0, 0])
    parts = _partitions_tc(em3, trans, head, tail, lens2)
    scores = jnp.sum(sc_part, axis=(1, 2))[:, None]
    return scores - parts

# --- scband reference (transcript-rebuilt; emitter-appended) ---
"""Pipeline reference for scband-crf-decoder-abc-26156350833020 (READ-ONLY COPY).

The authoritative reference and input builder live on the scoring server;
editing this copy changes nothing except your own understanding.
"""

import jax, jax.numpy as jnp
import numpy as np

NUM_TAGS = 64
NUM_CONJ = 1
B, L = 16, 2048


def setup_inputs(seed: int = 0) -> dict:
    key = jax.random.key(seed)
    k1, k2, k3, k4, k5, k6 = jax.random.split(key, 6)
    emissions = jax.random.normal(k1, (B, L, NUM_CONJ, NUM_TAGS), dtype=jnp.float32)
    tags = jax.random.randint(k2, (B, L, NUM_CONJ), 0, NUM_TAGS)
    lengths = jax.random.randint(k3, (B,), 1, L + 1).astype(jnp.int32)
    transitions = jax.random.normal(k4, (1, NUM_CONJ, NUM_TAGS, NUM_TAGS), dtype=jnp.float32) * 0.1
    head_transitions = jax.random.normal(k5, (1, NUM_CONJ, NUM_TAGS), dtype=jnp.float32) * 0.1
    tail_transitions = jax.random.normal(k6, (1, NUM_CONJ, NUM_TAGS), dtype=jnp.float32) * 0.1
    return {"emissions": emissions, "tags": tags, "lengths": lengths,
            "transitions": transitions, "head_transitions": head_transitions,
            "tail_transitions": tail_transitions}


def _log_partitions(emissions, lengths, transitions, head_transitions, tail_transitions):
    # Log-semiring reduce of per-token transition matrices; math equals the
    # tree-reduce in compute_partitions (associative log-matmul product).
    Bb, Ll, Cc, Nn = emissions.shape
    alpha0 = head_transitions[0][None, :, :] + emissions[:, 0]  # [B,C,N]
    trans0 = transitions[0]  # [C,N,N]

    def step(alpha, inp):
        em_t, t = inp  # em_t: [B,C,N]
        new = jax.nn.logsumexp(alpha[..., :, None] + trans0[None] + em_t[:, :, None, :], axis=-2)
        mask = (t < lengths)[:, None, None]
        alpha = jnp.where(mask, new, alpha)
        return alpha, None

    em_rest = jnp.moveaxis(emissions[:, 1:], 1, 0)  # [L-1,B,C,N]
    ts = jnp.arange(1, Ll)
    alpha, _ = jax.lax.scan(step, alpha0, (em_rest, ts))
    return jax.nn.logsumexp(alpha + tail_transitions[0][None], axis=-1)  # [B,C]


def _log_scores(emissions, tags, lengths, transitions, head_transitions, tail_transitions):
    Bb, Ll, Cc, Nn = emissions.shape
    em_sc = jnp.take_along_axis(emissions, tags[..., None], axis=-1)[..., 0]  # [B,L,C]
    prev = tags[:, :-1]  # [B,L-1,C]
    curr = tags[:, 1:]
    c_idx = jnp.arange(Cc)[None, None, :]
    tr_sc = transitions[0][c_idx, prev, curr]  # [B,L-1,C]
    tags0 = tags[:, 0]  # [B,C]
    head_sc = head_transitions[0][jnp.arange(Cc)[None, :], tags0]  # [B,C]
    tail_tag = tags[jnp.arange(Bb), lengths - 1]  # [B,C]
    tail_sc = tail_transitions[0][jnp.arange(Cc)[None, :], tail_tag]  # [B,C]
    mask = (jnp.arange(Ll)[None, :] < lengths[:, None]).astype(emissions.dtype)  # [B,L]
    mask_tr = (jnp.arange(1, Ll)[None, :] < lengths[:, None]).astype(emissions.dtype)  # [B,L-1]
    em_total = jnp.sum(em_sc * mask[..., None], axis=1)  # [B,C]
    tr_total = jnp.sum(tr_sc * mask_tr[..., None], axis=1)  # [B,C]
    return em_total + tr_total + head_sc + tail_sc


def reference(emissions, tags, lengths, transitions, head_transitions, tail_transitions):
    # CrfDecoderABC.fit -> dist.log_prob(tags) = log_scores - log_partitions
    scores = _log_scores(emissions, tags, lengths, transitions, head_transitions, tail_transitions)
    partitions = _log_partitions(emissions, lengths, transitions, head_transitions, tail_transitions)
    return scores - partitions  # [B, num_conjugates]

if __name__ == "__main__":
    import jax
    _d = setup_inputs()
    print(jax.jit(kernel)(*tuple(_d.values())))

</pallas_src>

<mosaic_0001>
#map = affine_map<(d0, d1) -> (0, 0)>
#map1 = affine_map<(d0, d1) -> (0)>
#map2 = affine_map<(d0, d1) -> (0, 0, 0)>
module attributes {stable_mosaic.version = 14 : i64} {
  func.func @_scores_sc_body(%arg0: i32, %arg1: i32, %arg2: memref<16x131072xf32, #tpu.memory_space<hbm>>, %arg3: memref<16x2048xf32, #tpu.memory_space<hbm>>, %arg4: memref<16xf32, #tpu.memory_space<hbm>>, %arg5: memref<4096xf32, #tpu.memory_space<hbm>>, %arg6: memref<64xf32, #tpu.memory_space<hbm>>, %arg7: memref<64xf32, #tpu.memory_space<hbm>>, %arg8: memref<16x2x16xf32, #tpu.memory_space<hbm>>, %arg9: memref<65536xf32, #tpu.memory_space<vmem>>, %arg10: memref<2048xf32, #tpu.memory_space<vmem>>, %arg11: memref<4096xf32, #tpu.memory_space<vmem>>, %arg12: memref<128xf32, #tpu.memory_space<vmem>>, %arg13: memref<128xf32, #tpu.memory_space<vmem>>, %arg14: memref<16xf32, #tpu.memory_space<vmem>>) attributes {dimension_semantics = [#tpu.dimension_semantics<core_parallel>, #tpu.dimension_semantics<subcore_parallel>], iteration_bounds = array<i64: 2, 16>, scalar_prefetch = 0 : i64, scratch_operands = 6 : i64, tpu.core_type = #tpu.core_type<sc_vector_subcore>, window_params = [{transform_indices = #map}, {transform_indices = #map}, {transform_indices = #map1}, {transform_indices = #map1}, {transform_indices = #map1}, {transform_indices = #map1}, {transform_indices = #map2}]} {
    %mul3A = arith.constant 2 : i32
    %mul3A_0 = arith.muli %arg1, %mul3A : i32
    %add3A = arith.addi %mul3A_0, %arg0 : i32
    %jit3A = arith.constant 2 : i32
    %div3A = arith.divsi %add3A, %jit3A : i32
    %sign3A = arith.constant 0 : i32
    %sign3A_1 = arith.cmpi sgt, %add3A, %sign3A : i32
    %sign3A_2 = arith.extui %sign3A_1 : i1 to i32
    %sign3A_3 = arith.constant 0 : i32
    %sign3A_4 = arith.cmpi slt, %add3A, %sign3A_3 : i32
    %sign3A_5 = arith.extui %sign3A_4 : i1 to i32
    %sign3A_6 = arith.subi %sign3A_2, %sign3A_5 : i32
    %sign3A_7 = arith.constant 0 : i32
    %sign3A_8 = arith.cmpi sgt, %jit3A, %sign3A_7 : i32
    %sign3A_9 = arith.extui %sign3A_8 : i1 to i32
    %sign3A_10 = arith.constant 0 : i32
    %sign3A_11 = arith.cmpi slt, %jit3A, %sign3A_10 : i32
    %sign3A_12 = arith.extui %sign3A_11 : i1 to i32
    %sign3A_13 = arith.subi %sign3A_9, %sign3A_12 : i32
    %ne3A = arith.cmpi ne, %sign3A_6, %sign3A_13 : i32
    %rem3A = arith.remsi %add3A, %jit3A : i32
    %ne3A_14 = arith.constant 0 : i32
    %ne3A_15 = arith.cmpi ne, %rem3A, %ne3A_14 : i32
    %and3A = arith.andi %ne3A, %ne3A_15 : i1
    %sub3A = arith.constant 1 : i32
    %sub3A_16 = arith.subi %div3A, %sub3A : i32
    %select_n3A = arith.select %and3A, %sub3A_16, %div3A : i32
    %jit3A_17 = arith.constant 2 : i32
    %eq3A = arith.constant 0 : i32
    %eq3A_18 = arith.cmpi eq, %jit3A_17, %eq3A : i32
    %jit3A_19 = arith.constant 1 : i32
    %select_n3A_20 = arith.select %eq3A_18, %jit3A_19, %jit3A_17 : i32
    %rem3A_21 = arith.remsi %add3A, %select_n3A_20 : i32
    %ne3A_22 = arith.constant 0 : i32
    %ne3A_23 = arith.cmpi ne, %rem3A_21, %ne3A_22 : i32
    %lt3A = arith.constant 0 : i32
    %lt3A_24 = arith.cmpi slt, %rem3A_21, %lt3A : i32
    %lt3A_25 = arith.constant 0 : i32
    %lt3A_26 = arith.cmpi slt, %select_n3A_20, %lt3A_25 : i32
    %ne3A_27 = arith.xori %lt3A_24, %lt3A_26 : i1
    %and3A_28 = arith.andi %ne3A_27, %ne3A_23 : i1
    %add3A_29 = arith.addi %rem3A_21, %select_n3A_20 : i32
    %select_n3A_30 = arith.select %and3A_28, %add3A_29, %rem3A_21 : i32
    %mul3A_31 = arith.constant 1024 : i32
    %mul3A_32 = arith.muli %select_n3A_30, %mul3A_31 : i32
    %mul3A_33 = arith.constant 64 : i32
    %mul3A_34 = arith.muli %mul3A_32, %mul3A_33 : i32
    "tpu.region"() ({
      %run_scoped3A = tpu.sem_alloc : memref<!tpu.dma_semaphore, #tpu.memory_space<semaphore_mem>>
      %dma_start3A = tpu.memref_slice %arg2[%select_n3A, %mul3A_34] : memref<16x131072xf32, #tpu.memory_space<hbm>> -> memref<1x65536xf32, #tpu.memory_space<hbm>>
      %dma_start3A_81 = tpu.memref_squeeze %dma_start3A : memref<1x65536xf32, #tpu.memory_space<hbm>> -> memref<65536xf32, #tpu.memory_space<hbm>>
      %dma_start3A_82 = tpu.memref_slice %arg2[%select_n3A, %mul3A_34] : memref<16x131072xf32, #tpu.memory_space<hbm>> -> memref<1x65536xf32, #tpu.memory_space<hbm>>
      %dma_start3A_83 = tpu.memref_squeeze %dma_start3A_82 : memref<1x65536xf32, #tpu.memory_space<hbm>> -> memref<65536xf32, #tpu.memory_space<hbm>>
      tpu.enqueue_dma source(%dma_start3A_83 : memref<65536xf32, #tpu.memory_space<hbm>>) target(%arg9 : memref<65536xf32, #tpu.memory_space<vmem>>) target_semaphore(%run_scoped3A : memref<!tpu.dma_semaphore, #tpu.memory_space<semaphore_mem>>)
      %dma_wait3A = tpu.memref_slice %arg2[%select_n3A, %mul3A_34] : memref<16x131072xf32, #tpu.memory_space<hbm>> -> memref<1x65536xf32, #tpu.memory_space<hbm>>
      %dma_wait3A_84 = tpu.memref_squeeze %dma_wait3A : memref<1x65536xf32, #tpu.memory_space<hbm>> -> memref<65536xf32, #tpu.memory_space<hbm>>
      %dma_wait3A_85 = tpu.memref_slice %arg2[%select_n3A, %mul3A_34] : memref<16x131072xf32, #tpu.memory_space<hbm>> -> memref<1x65536xf32, #tpu.memory_space<hbm>>
      %dma_wait3A_86 = tpu.memref_squeeze %dma_wait3A_85 : memref<1x65536xf32, #tpu.memory_space<hbm>> -> memref<65536xf32, #tpu.memory_space<hbm>>
      tpu.wait_dma2 semaphore(%run_scoped3A : memref<!tpu.dma_semaphore, #tpu.memory_space<semaphore_mem>>) src(%dma_wait3A_86 : memref<65536xf32, #tpu.memory_space<hbm>>) dst(%arg9 : memref<65536xf32, #tpu.memory_space<vmem>>)
      tpu.yield
    }) : () -> ()
    "tpu.region"() ({
      %run_scoped3A = tpu.sem_alloc : memref<!tpu.dma_semaphore, #tpu.memory_space<semaphore_mem>>
      %dma_start3A = arith.constant 0 : i32
      %dma_start3A_81 = tpu.memref_slice %arg3[%select_n3A, %dma_start3A] : memref<16x2048xf32, #tpu.memory_space<hbm>> -> memref<1x2048xf32, #tpu.memory_space<hbm>>
      %dma_start3A_82 = tpu.memref_squeeze %dma_start3A_81 : memref<1x2048xf32, #tpu.memory_space<hbm>> -> memref<2048xf32, #tpu.memory_space<hbm>>
      %dma_start3A_83 = arith.constant 0 : i32
      %dma_start3A_84 = tpu.memref_slice %arg3[%select_n3A, %dma_start3A_83] : memref<16x2048xf32, #tpu.memory_space<hbm>> -> memref<1x2048xf32, #tpu.memory_space<hbm>>
      %dma_start3A_85 = tpu.memref_squeeze %dma_start3A_84 : memref<1x2048xf32, #tpu.memory_space<hbm>> -> memref<2048xf32, #tpu.memory_space<hbm>>
      tpu.enqueue_dma source(%dma_start3A_85 : memref<2048xf32, #tpu.memory_space<hbm>>) target(%arg10 : memref<2048xf32, #tpu.memory_space<vmem>>) target_semaphore(%run_scoped3A : memref<!tpu.dma_semaphore, #tpu.memory_space<semaphore_mem>>)
      %dma_wait3A = arith.constant 0 : i32
      %dma_wait3A_86 = tpu.memref_slice %arg3[%select_n3A, %dma_wait3A] : memref<16x2048xf32, #tpu.memory_space<hbm>> -> memref<1x2048xf32, #tpu.memory_space<hbm>>
      %dma_wait3A_87 = tpu.memref_squeeze %dma_wait3A_86 : memref<1x2048xf32, #tpu.memory_space<hbm>> -> memref<2048xf32, #tpu.memory_space<hbm>>
      %dma_wait3A_88 = arith.constant 0 : i32
      %dma_wait3A_89 = tpu.memref_slice %arg3[%select_n3A, %dma_wait3A_88] : memref<16x2048xf32, #tpu.memory_space<hbm>> -> memref<1x2048xf32, #tpu.memory_space<hbm>>
      %dma_wait3A_90 = tpu.memref_squeeze %dma_wait3A_89 : memref<1x2048xf32, #tpu.memory_space<hbm>> -> memref<2048xf32, #tpu.memory_space<hbm>>
      tpu.wait_dma2 semaphore(%run_scoped3A : memref<!tpu.dma_semaphore, #tpu.memory_space<semaphore_mem>>) src(%dma_wait3A_90 : memref<2048xf32, #tpu.memory_space<hbm>>) dst(%arg10 : memref<2048xf32, #tpu.memory_space<vmem>>)
      tpu.yield
    }) : () -> ()
    "tpu.region"() ({
      %run_scoped3A = tpu.sem_alloc : memref<!tpu.dma_semaphore, #tpu.memory_space<semaphore_mem>>
      tpu.enqueue_dma source(%arg5 : memref<4096xf32, #tpu.memory_space<hbm>>) target(%arg11 : memref<4096xf32, #tpu.memory_space<vmem>>) target_semaphore(%run_scoped3A : memref<!tpu.dma_semaphore, #tpu.memory_space<semaphore_mem>>)
      tpu.wait_dma2 semaphore(%run_scoped3A : memref<!tpu.dma_semaphore, #tpu.memory_space<semaphore_mem>>) src(%arg5 : memref<4096xf32, #tpu.memory_space<hbm>>) dst(%arg11 : memref<4096xf32, #tpu.memory_space<vmem>>)
      tpu.yield
    }) : () -> ()
    "tpu.region"() ({
      %run_scoped3A = tpu.sem_alloc : memref<!tpu.dma_semaphore, #tpu.memory_space<semaphore_mem>>
      %dma_start3A = arith.constant 0 : i32
      %dma_start3A_81 = tpu.memref_slice %arg12[%dma_start3A] : memref<128xf32, #tpu.memory_space<vmem>> -> memref<64xf32, #tpu.memory_space<vmem>>
      %dma_start3A_82 = arith.constant 0 : i32
      %dma_start3A_83 = tpu.memref_slice %arg12[%dma_start3A_82] : memref<128xf32, #tpu.memory_space<vmem>> -> memref<64xf32, #tpu.memory_space<vmem>>
      tpu.enqueue_dma source(%arg6 : memref<64xf32, #tpu.memory_space<hbm>>) target(%dma_start3A_83 : memref<64xf32, #tpu.memory_space<vmem>>) target_semaphore(%run_scoped3A : memref<!tpu.dma_semaphore, #tpu.memory_space<semaphore_mem>>)
      %dma_wait3A = arith.constant 0 : i32
      %dma_wait3A_84 = tpu.memref_slice %arg12[%dma_wait3A] : memref<128xf32, #tpu.memory_space<vmem>> -> memref<64xf32, #tpu.memory_space<vmem>>
      %dma_wait3A_85 = arith.constant 0 : i32
      %dma_wait3A_86 = tpu.memref_slice %arg12[%dma_wait3A_85] : memref<128xf32, #tpu.memory_space<vmem>> -> memref<64xf32, #tpu.memory_space<vmem>>
      tpu.wait_dma2 semaphore(%run_scoped3A : memref<!tpu.dma_semaphore, #tpu.memory_space<semaphore_mem>>) src(%arg6 : memref<64xf32, #tpu.memory_space<hbm>>) dst(%dma_wait3A_86 : memref<64xf32, #tpu.memory_space<vmem>>)
      tpu.yield
    }) : () -> ()
    "tpu.region"() ({
      %run_scoped3A = tpu.sem_alloc : memref<!tpu.dma_semaphore, #tpu.memory_space<semaphore_mem>>
      %dma_start3A = arith.constant 64 : i32
      %dma_start3A_81 = tpu.memref_slice %arg12[%dma_start3A] : memref<128xf32, #tpu.memory_space<vmem>> -> memref<64xf32, #tpu.memory_space<vmem>>
      %dma_start3A_82 = arith.constant 64 : i32
      %dma_start3A_83 = tpu.memref_slice %arg12[%dma_start3A_82] : memref<128xf32, #tpu.memory_space<vmem>> -> memref<64xf32, #tpu.memory_space<vmem>>
      tpu.enqueue_dma source(%arg7 : memref<64xf32, #tpu.memory_space<hbm>>) target(%dma_start3A_83 : memref<64xf32, #tpu.memory_space<vmem>>) target_semaphore(%run_scoped3A : memref<!tpu.dma_semaphore, #tpu.memory_space<semaphore_mem>>)
      %dma_wait3A = arith.constant 64 : i32
      %dma_wait3A_84 = tpu.memref_slice %arg12[%dma_wait3A] : memref<128xf32, #tpu.memory_space<vmem>> -> memref<64xf32, #tpu.memory_space<vmem>>
      %dma_wait3A_85 = arith.constant 64 : i32
      %dma_wait3A_86 = tpu.memref_slice %arg12[%dma_wait3A_85] : memref<128xf32, #tpu.memory_space<vmem>> -> memref<64xf32, #tpu.memory_space<vmem>>
      tpu.wait_dma2 semaphore(%run_scoped3A : memref<!tpu.dma_semaphore, #tpu.memory_space<semaphore_mem>>) src(%arg7 : memref<64xf32, #tpu.memory_space<hbm>>) dst(%dma_wait3A_86 : memref<64xf32, #tpu.memory_space<vmem>>)
      tpu.yield
    }) : () -> ()
    "tpu.region"() ({
      %run_scoped3A = tpu.sem_alloc : memref<!tpu.dma_semaphore, #tpu.memory_space<semaphore_mem>>
      %dma_start3A = arith.constant 0 : i32
      %dma_start3A_81 = tpu.memref_slice %arg13[%dma_start3A] : memref<128xf32, #tpu.memory_space<vmem>> -> memref<16xf32, #tpu.memory_space<vmem>>
      %dma_start3A_82 = arith.constant 0 : i32
      %dma_start3A_83 = tpu.memref_slice %arg13[%dma_start3A_82] : memref<128xf32, #tpu.memory_space<vmem>> -> memref<16xf32, #tpu.memory_space<vmem>>
      tpu.enqueue_dma source(%arg4 : memref<16xf32, #tpu.memory_space<hbm>>) target(%dma_start3A_83 : memref<16xf32, #tpu.memory_space<vmem>>) target_semaphore(%run_scoped3A : memref<!tpu.dma_semaphore, #tpu.memory_space<semaphore_mem>>)
      %dma_wait3A = arith.constant 0 : i32
      %dma_wait3A_84 = tpu.memref_slice %arg13[%dma_wait3A] : memref<128xf32, #tpu.memory_space<vmem>> -> memref<16xf32, #tpu.memory_space<vmem>>
      %dma_wait3A_85 = arith.constant 0 : i32
      %dma_wait3A_86 = tpu.memref_slice %arg13[%dma_wait3A_85] : memref<128xf32, #tpu.memory_space<vmem>> -> memref<16xf32, #tpu.memory_space<vmem>>
      tpu.wait_dma2 semaphore(%run_scoped3A : memref<!tpu.dma_semaphore, #tpu.memory_space<semaphore_mem>>) src(%arg4 : memref<16xf32, #tpu.memory_space<hbm>>) dst(%dma_wait3A_86 : memref<16xf32, #tpu.memory_space<vmem>>)
      tpu.yield
    }) : () -> ()
    %iota3A = tpu.iota {dimensions = array<i32: 0>} : vector<16xi32>
    %broadcast_in_dim3A = vector.broadcast %select_n3A : i32 to vector<16xi32>
    %gather3A = tpu.vector_load_idx %arg13[%broadcast_in_dim3A] : memref<128xf32, #tpu.memory_space<vmem>>[vector<16xi32>], vector<16xf32>,
    %bitcast3A = vector.bitcast %gather3A : vector<16xf32> to vector<16xi32>
    %broadcast_in_dim3A_35 = arith.constant 0.000000e+00 : f32
    %broadcast_in_dim3A_36 = vector.broadcast %broadcast_in_dim3A_35 : f32 to vector<16xf32>
    %scan3A = arith.constant 0 : i32
    %scan3A_37 = arith.constant 64 : i32
    %scan3A_38 = arith.addi %scan3A, %scan3A_37 : i32
    %scan3A_39 = arith.constant 1 : i32
    %scan3A_40:2 = scf.for %scan3A_81 = %scan3A to %scan3A_38 step %scan3A_39 iter_args(%scan3A_82 = %broadcast_in_dim3A_36, %scan3A_83 = %broadcast_in_dim3A_36) -> (vector<16xf32>, vector<16xf32>)  : i32 {
      %mul3A_84 = arith.constant 16 : i32
      %mul3A_85 = arith.muli %scan3A_81, %mul3A_84 : i32
      %add3A_86 = vector.broadcast %mul3A_85 : i32 to vector<16xi32>
      %add3A_87 = arith.addi %add3A_86, %iota3A : vector<16xi32>
      %add3A_88 = vector.broadcast %mul3A_32 : i32 to vector<16xi32>
      %add3A_89 = arith.addi %add3A_87, %add3A_88 : vector<16xi32>
      %gather3A_90 = tpu.vector_load_idx %arg10[%add3A_89] : memref<2048xf32, #tpu.memory_space<vmem>>[vector<16xi32>], vector<16xf32>,
      %bitcast3A_91 = vector.bitcast %gather3A_90 : vector<16xf32> to vector<16xi32>
      %sub3A_92 = arith.constant 1 : i32
      %sub3A_93 = vector.broadcast %sub3A_92 : i32 to vector<16xi32>
      %sub3A_94 = arith.subi %add3A_89, %sub3A_93 : vector<16xi32>
      %max3A = arith.constant 0 : i32
      %max3A_95 = vector.broadcast %max3A : i32 to vector<16xi32>
      %max3A_96 = arith.maxsi %sub3A_94, %max3A_95 : vector<16xi32>
      %gather3A_97 = tpu.vector_load_idx %arg10[%max3A_96] : memref<2048xf32, #tpu.memory_space<vmem>>[vector<16xi32>], vector<16xf32>,
      %bitcast3A_98 = vector.bitcast %gather3A_97 : vector<16xf32> to vector<16xi32>
      %mul3A_99 = arith.constant 64 : i32
      %mul3A_100 = vector.broadcast %mul3A_99 : i32 to vector<16xi32>
      %mul3A_101 = arith.muli %add3A_87, %mul3A_100 : vector<16xi32>
      %add3A_102 = arith.addi %mul3A_101, %bitcast3A_91 : vector<16xi32>
      %gather3A_103 = tpu.vector_load_idx %arg9[%add3A_102] : memref<65536xf32, #tpu.memory_space<vmem>>[vector<16xi32>], vector<16xf32>,
      %mul3A_104 = arith.constant 64 : i32
      %mul3A_105 = vector.broadcast %mul3A_104 : i32 to vector<16xi32>
      %mul3A_106 = arith.muli %bitcast3A_98, %mul3A_105 : vector<16xi32>
      %add3A_107 = arith.addi %mul3A_106, %bitcast3A_91 : vector<16xi32>
      %gather3A_108 = tpu.vector_load_idx %arg11[%add3A_107] : memref<4096xf32, #tpu.memory_space<vmem>>[vector<16xi32>], vector<16xf32>,
      %lt3A_109 = arith.cmpi slt, %add3A_89, %bitcast3A : vector<16xi32>
      %ge3A_110 = arith.constant 1 : i32
      %ge3A_111 = vector.broadcast %ge3A_110 : i32 to vector<16xi32>
      %ge3A_112 = arith.cmpi sge, %add3A_89, %ge3A_111 : vector<16xi32>
      %lt3A_113 = arith.cmpi slt, %add3A_89, %bitcast3A : vector<16xi32>
      %and3A_114 = arith.andi %ge3A_112, %lt3A_113 : vector<16xi1>
      %jit3A_115 = arith.constant 0.000000e+00 : f32
      %broadcast_in_dim3A_116 = vector.broadcast %jit3A_115 : f32 to vector<16xf32>
      %select_n3A_117 = arith.select %lt3A_109, %gather3A_103, %broadcast_in_dim3A_116 : vector<16xi1>, vector<16xf32>
      %add3A_118 = arith.addf %scan3A_82, %select_n3A_117 : vector<16xf32>
      %jit3A_119 = arith.constant 0.000000e+00 : f32
      %broadcast_in_dim3A_120 = vector.broadcast %jit3A_119 : f32 to vector<16xf32>
      %select_n3A_121 = arith.select %and3A_114, %gather3A_108, %broadcast_in_dim3A_120 : vector<16xi1>, vector<16xf32>
      %add3A_122 = arith.addf %scan3A_83, %select_n3A_121 : vector<16xf32>
      scf.yield %add3A_118, %add3A_122 : vector<16xf32>, vector<16xf32>
    }
    %scan3A_41 = arith.constant 64 : i32
    %add3A_42 = arith.addf %scan3A_40#0, %scan3A_40#1 : vector<16xf32>
    %broadcast_in_dim3A_43 = vector.broadcast %select_n3A_30 : i32 to vector<16xi32>
    %eq3A_44 = arith.constant 0 : i32
    %eq3A_45 = vector.broadcast %eq3A_44 : i32 to vector<16xi32>
    %eq3A_46 = arith.cmpi eq, %iota3A, %eq3A_45 : vector<16xi32>
    %broadcast_in_dim3A_47 = arith.constant 0 : i32
    %broadcast_in_dim3A_48 = vector.broadcast %broadcast_in_dim3A_47 : i32 to vector<16xi32>
    %gather3A_49 = tpu.vector_load_idx %arg10[%broadcast_in_dim3A_48] : memref<2048xf32, #tpu.memory_space<vmem>>[vector<16xi32>], vector<16xf32>,
    %bitcast3A_50 = vector.bitcast %gather3A_49 : vector<16xf32> to vector<16xi32>
    %gather3A_51 = tpu.vector_load_idx %arg12[%bitcast3A_50] : memref<128xf32, #tpu.memory_space<vmem>>[vector<16xi32>], vector<16xf32>,
    %eq3A_52 = arith.constant 0 : i32
    %eq3A_53 = vector.broadcast %eq3A_52 : i32 to vector<16xi32>
    %eq3A_54 = arith.cmpi eq, %broadcast_in_dim3A_43, %eq3A_53 : vector<16xi32>
    %and3A_55 = arith.andi %eq3A_46, %eq3A_54 : vector<16xi1>
    %jit3A_56 = arith.constant 0.000000e+00 : f32
    %broadcast_in_dim3A_57 = vector.broadcast %jit3A_56 : f32 to vector<16xf32>
    %select_n3A_58 = arith.select %and3A_55, %gather3A_51, %broadcast_in_dim3A_57 : vector<16xi1>, vector<16xf32>
    %add3A_59 = arith.addf %add3A_42, %select_n3A_58 : vector<16xf32>
    %sub3A_60 = arith.constant 1 : i32
    %sub3A_61 = vector.broadcast %sub3A_60 : i32 to vector<16xi32>
    %sub3A_62 = arith.subi %bitcast3A, %sub3A_61 : vector<16xi32>
    %ge3A = vector.broadcast %mul3A_32 : i32 to vector<16xi32>
    %ge3A_63 = arith.cmpi sge, %sub3A_62, %ge3A : vector<16xi32>
    %add3A_64 = arith.constant 1024 : i32
    %add3A_65 = arith.addi %mul3A_32, %add3A_64 : i32
    %lt3A_66 = vector.broadcast %add3A_65 : i32 to vector<16xi32>
    %lt3A_67 = arith.cmpi slt, %sub3A_62, %lt3A_66 : vector<16xi32>
    %and3A_68 = arith.andi %ge3A_63, %lt3A_67 : vector<16xi1>
    %gather3A_69 = tpu.vector_load_idx %arg10[%sub3A_62] : memref<2048xf32, #tpu.memory_space<vmem>>[vector<16xi32>], vector<16xf32>,
    %bitcast3A_70 = vector.bitcast %gather3A_69 : vector<16xf32> to vector<16xi32>
    %add3A_71 = arith.constant 64 : i32
    %add3A_72 = vector.broadcast %add3A_71 : i32 to vector<16xi32>
    %add3A_73 = arith.addi %add3A_72, %bitcast3A_70 : vector<16xi32>
    %gather3A_74 = tpu.vector_load_idx %arg12[%add3A_73] : memref<128xf32, #tpu.memory_space<vmem>>[vector<16xi32>], vector<16xf32>,
    %and3A_75 = arith.andi %eq3A_46, %and3A_68 : vector<16xi1>
    %jit3A_76 = arith.constant 0.000000e+00 : f32
    %broadcast_in_dim3A_77 = vector.broadcast %jit3A_76 : f32 to vector<16xf32>
    %select_n3A_78 = arith.select %and3A_75, %gather3A_74, %broadcast_in_dim3A_77 : vector<16xi1>, vector<16xf32>
    %add3A_79 = arith.addf %add3A_59, %select_n3A_78 : vector<16xf32>
    %swap3A = arith.constant 0 : index
    %swap3A_80 = tpu.vector_load %arg14[%swap3A] {strides = array<i32>} : memref<16xf32, #tpu.memory_space<vmem>>, vector<16xf32>,
    tpu.vector_store %arg14[%swap3A], %add3A_79 {strides = array<i32>} : memref<16xf32, #tpu.memory_space<vmem>>, vector<16xf32>,
    "tpu.region"() ({
      %run_scoped3A = tpu.sem_alloc : memref<!tpu.dma_semaphore, #tpu.memory_space<semaphore_mem>>
      %dma_start3A = arith.constant 0 : i32
      %dma_start3A_81 = tpu.memref_slice %arg8[%select_n3A, %select_n3A_30, %dma_start3A] : memref<16x2x16xf32, #tpu.memory_space<hbm>> -> memref<1x1x16xf32, #tpu.memory_space<hbm>>
      %dma_start3A_82 = tpu.memref_squeeze %dma_start3A_81 : memref<1x1x16xf32, #tpu.memory_space<hbm>> -> memref<16xf32, #tpu.memory_space<hbm>>
      %dma_start3A_83 = arith.constant 0 : i32
      %dma_start3A_84 = tpu.memref_slice %arg8[%select_n3A, %select_n3A_30, %dma_start3A_83] : memref<16x2x16xf32, #tpu.memory_space<hbm>> -> memref<1x1x16xf32, #tpu.memory_space<hbm>>
      %dma_start3A_85 = tpu.memref_squeeze %dma_start3A_84 : memref<1x1x16xf32, #tpu.memory_space<hbm>> -> memref<16xf32, #tpu.memory_space<hbm>>
      tpu.enqueue_dma source(%arg14 : memref<16xf32, #tpu.memory_space<vmem>>) target(%dma_start3A_85 : memref<16xf32, #tpu.memory_space<hbm>>) target_semaphore(%run_scoped3A : memref<!tpu.dma_semaphore, #tpu.memory_space<semaphore_mem>>)
      %dma_wait3A = arith.constant 0 : i32
      %dma_wait3A_86 = tpu.memref_slice %arg8[%select_n3A, %select_n3A_30, %dma_wait3A] : memref<16x2x16xf32, #tpu.memory_space<hbm>> -> memref<1x1x16xf32, #tpu.memory_space<hbm>>
      %dma_wait3A_87 = tpu.memref_squeeze %dma_wait3A_86 : memref<1x1x16xf32, #tpu.memory_space<hbm>> -> memref<16xf32, #tpu.memory_space<hbm>>
      %dma_wait3A_88 = arith.constant 0 : i32
      %dma_wait3A_89 = tpu.memref_slice %arg8[%select_n3A, %select_n3A_30, %dma_wait3A_88] : memref<16x2x16xf32, #tpu.memory_space<hbm>> -> memref<1x1x16xf32, #tpu.memory_space<hbm>>
      %dma_wait3A_90 = tpu.memref_squeeze %dma_wait3A_89 : memref<1x1x16xf32, #tpu.memory_space<hbm>> -> memref<16xf32, #tpu.memory_space<hbm>>
      tpu.wait_dma2 semaphore(%run_scoped3A : memref<!tpu.dma_semaphore, #tpu.memory_space<semaphore_mem>>) src(%arg14 : memref<16xf32, #tpu.memory_space<vmem>>) dst(%dma_wait3A_90 : memref<16xf32, #tpu.memory_space<hbm>>)
      tpu.yield
    }) : () -> ()
    return
  }
}

</mosaic_0001>

<sc_bundles>
// kernel: _scores_sc.3.cloned.1.call-start
scs
__scs_entry_jumppad:
0x0: {  	(pc) =	sbr.rel $0x88, $3  }
0x1: {  	(tag) =	ssettag $0x0;
	lr =	simm.s32 $0x1  }
0x2: {  	[smem:$0x3F9B] =	sst lr;
	_ =	strace $0xD0000000  }
0x3: {  	_ = 	snop  }
0x4: {  	_ = 	snop  }
0x5: {  	_ = 	snop  }
0x6: {  	_ = 	snop  }
0x7: {  	_ = 	snop  }
__scs_overlays_trampoline_lowered:
0x8: {  	[smem:$0x3FAA] =	sst s0  }
0x9: {  	[smem:$0x3FAB] =	sst s1  }
0xa: {  	[smem:$0x3FAC] =	sst s2  }
0xb: {  	[smem:$0x3FAD] =	sst s3  }
0xc: {  	[smem:$0x3FAE] =	sst s4  }
0xd: {  	[smem:$0x3FAF] =	sst s5  }
0xe: {  	[smem:$0x3FB0] =	sst s6  }
0xf: {  	[smem:$0x3FB1] =	sst s7  }
0x10: {  	[smem:$0x3FB2] =	sst s8  }
0x11: {  	[smem:$0x3FB3] =	sst s9;
	s0 =	simm.s32 @!p0 $0x0  }
0x12: {  	s1 =	sld [smem:$0x3F99];
	s0 =	simm.s32 @p0 $0x1  }
0x13: {  	[smem:$0x3FB4] =	sst s0;
	s0 =	simm.s32 @!p1 $0x0  }
0x14: {  	s2 =	sld [smem:$0x3F98];
	s0 =	simm.s32 @p1 $0x1  }
0x15: {  	[smem:$0x3FB5] =	sst s0;
	s0 =	simm.s32 @!p2 $0x0  }
0x16: {  	s3 =	sld [smem:$0x3FDB];
	s0 =	simm.s32 @p2 $0x1  }
0x17: {  	s4 =	simm.s32 $0x1BF5;
	[smem:$0x3FB7] =	sst s0  }
0x18: {  	s0 =	sld [smem:$0x3F9A];
	_ =	swait.ge [sflag:s4], $0x0  }
0x19: {  	s7 =	sld [smem:$0x3F9B]  }
0x1a: {  	s8 =	sadd.s32 $0xFFFFE003, lr  }
0x1b: {  	s9 =	sadd.s32 $0xFFFFFEF7, lr;
	s5 =	simm.s32 $0xFFFFFFFF;
	p2 =	slt.u32 s8, $0xFFFFF086  }
0x1c: {  	p1 =	slt.u32 s9, $0xF7A;
	s5 =	simm.s32 @!p2 $0x0  }
0x1d: {  	s5 =	simm.s32 @p1 $0x1;
	p0 =	seq.s32 s7, s2  }
0x1e: {  	s7 =	smul.u32 @!p0 $0xF7A, s2;
	p2 =	seq.s32 @!p0 s5, $0x0  }
0x1f: {  	s9 =	smul.u32 $0xF7A, s1;
	s8 =	simm.s32 @!p0 $0x1BF5;
	p2 =	por !p2, p0  }
0x20: {  	[sflag:s8] =	ssyncset.s32 @!p0 $0xFFFFF086;
	s6 =	sadd.s32 @!p0 s3, s7;
	s7 =	simm.s32 @!p0 $0x108  }
0x21: {  	s3 =	sadd.s32 s3, s9;
	s6 =	sadd.s32 @!p0 $0x88, s6;
	s7 =	simm.s32 @p2 $0x1082  }
0x22: {  	[simem:s7], [sflag:s8] =	dma.local @!p0 [hbm:s6], $0xF7A  }
0x23: {  	s9 =	sor.u32 $0xD0000000, s2;
	s6 =	simm.s32 $0x108;
	_ =	swait.ge @!p0 [sflag:s8], $0x0  }
0x24: {  	s3 =	sadd.s32 $0x88, s3;
	s6 =	simm.s32 @!p1 $0x1082;
	[sflag:s4] =	ssyncset.s32 $0xFFFFF086  }
0x25: {  	[simem:s6], [sflag:s4] =	dma.local [hbm:s3], $0xF7A  }
0x26: {  	[smem:$0x3F9B] =	sst s1;
	(tag) =	ssettag s2;
	_ =	strace s9  }
0x27: {  	s1 =	sld [smem:$0x3FAB]  }
0x28: {  	s2 =	sld [smem:$0x3FAC]  }
0x29: {  	s4 =	sld [smem:$0x3FAE]  }
0x2a: {  	p0 =	seq.s32 s5, $0x0;
	s5 =	sld [smem:$0x3FAF]  }
0x2b: {  	s6 =	sld [smem:$0x3FB0]  }
0x2c: {  	s7 =	sld [smem:$0x3FB1]  }
0x2d: {  	s3 =	simm.s32 $0x108;
	s8 =	sld [smem:$0x3FB2]  }
0x2e: {  	s3 =	simm.s32 @!p0 $0x1082;
	s9 =	sld [smem:$0x3FB3]  }
0x2f: {  	lr =	sadd.s32 s0, s3;
	s0 =	sld [smem:$0x3FAA]  }
0x30: {  	s3 =	sld [smem:$0x3FAD]  }
0x31: {  	[smem:$0x3FB6] =	sst s10  }
0x32: {  	s10 =	sld [smem:$0x3FB4];
	_ =	sdelay $0x3  }
0x33: {  	p0 =	seq.s32 s10, $0x1;
	s10 =	sld [smem:$0x3FB6];
	_ =	sdelay $0x3  }
0x34: {  	[smem:$0x3FB6] =	sst s10  }
0x35: {  	s10 =	sld [smem:$0x3FB5];
	_ =	sdelay $0x3  }
0x36: {  	p1 =	seq.s32 s10, $0x1;
	s10 =	sld [smem:$0x3FB6];
	_ =	sdelay $0x3  }
0x37: {  	[smem:$0x3FB6] =	sst s10  }
0x38: {  	s10 =	sld [smem:$0x3FB7]  }
0x39: {  	_ = 	snop;
	(pc) =	sbr.ind lr, $3  }
0x3a: {  	_ = 	snop  }
0x3b: {  	_ = 	snop  }
0x3c: {  	p2 =	seq.s32 s10, $0x1;
	s10 =	sld [smem:$0x3FB6]  }
0x3d: {  	_ =	shalt  }
0x3e: {  	_ =	shalt  }
0x3f: {  	_ =	shalt  }
0x40: {  	_ =	shalt  }
0x41: {  	_ =	shalt  }
0x42: {  	_ =	shalt  }
0x43: {  	_ =	shalt  }
0x44: {  	_ =	shalt  }
0x45: {  	_ =	shalt  }
0x46: {  	_ =	shalt  }
0x47: {  	_ =	shalt  }
0x48: {  	_ =	shalt  }
0x49: {  	_ =	shalt  }
0x4a: {  	_ =	shalt  }
0x4b: {  	_ =	shalt  }
0x4c: {  	_ =	shalt  }
0x4d: {  	_ =	shalt  }
0x4e: {  	_ =	shalt  }
0x4f: {  	_ =	shalt  }
0x50: {  	_ =	shalt  }
0x51: {  	_ =	shalt  }
0x52: {  	_ =	shalt  }
0x53: {  	_ =	shalt  }
0x54: {  	_ =	shalt  }
0x55: {  	_ =	shalt  }
0x56: {  	_ =	shalt  }
0x57: {  	_ =	shalt  }
0x58: {  	_ =	shalt  }
0x59: {  	_ =	shalt  }
0x5a: {  	_ =	shalt  }
0x5b: {  	_ =	shalt  }
0x5c: {  	_ =	shalt  }
0x5d: {  	_ =	shalt  }
0x5e: {  	_ =	shalt  }
0x5f: {  	_ =	shalt  }
0x60: {  	_ =	shalt  }
0x61: {  	_ =	shalt  }
0x62: {  	_ =	shalt  }
0x63: {  	_ =	shalt  }
0x64: {  	_ =	shalt  }
0x65: {  	_ =	shalt  }
0x66: {  	_ =	shalt  }
0x67: {  	_ =	shalt  }
0x68: {  	_ =	shalt  }
0x69: {  	_ =	shalt  }
0x6a: {  	_ =	shalt  }
0x6b: {  	_ =	shalt  }
0x6c: {  	_ =	shalt  }
0x6d: {  	_ =	shalt  }
0x6e: {  	_ =	shalt  }
0x6f: {  	_ =	shalt  }
0x70: {  	_ =	shalt  }
0x71: {  	_ =	shalt  }
0x72: {  	_ =	shalt  }
0x73: {  	_ =	shalt  }
0x74: {  	_ =	shalt  }
0x75: {  	_ =	shalt  }
0x76: {  	_ =	shalt  }
0x77: {  	_ =	shalt  }
0x78: {  	_ =	shalt  }
0x79: {  	_ =	shalt  }
0x7a: {  	_ =	shalt  }
0x7b: {  	_ =	shalt  }
0x7c: {  	_ =	shalt  }
0x7d: {  	_ =	shalt  }
0x7e: {  	_ =	shalt  }
0x7f: {  	_ =	shalt  }
0x80: {  	_ =	shalt  }
0x81: {  	_ =	shalt  }
0x82: {  	_ =	shalt  }
0x83: {  	_ =	shalt  }
0x84: {  	_ =	shalt  }
0x85: {  	_ =	shalt  }
0x86: {  	_ =	shalt  }
0x87: {  	_ =	shalt  }
.Lfunc_end0:
.L_simem_size_0:
called_computation_lowered:
.L_overlay_start_0:
0x88: {  	s2 =	sld [smem:$0x3FD9]  }
0x89: {  	s3 =	sld [smem:$0x3FFE];
	_ =	sdelay $0x1  }
0x8a: {  	s1 =	srdreg.scid  }
0x8b: {  	s0 =	sand.u32 $0x1, s1  }
0x8c: {  	s18 =	sshll.u32 s0, $0xA;
	s2 =	sadd.s32 s3, s2  }
0x8d: {  	s2 =	sadd.s32 s2, s18  }
0x8e: {  	[smem:$0x3FC2] =	sst s2  }
0x8f: {  	_ = 	snop  }
0x90: {  	s2 =	sld [smem:$0x3FC9]  }
0x91: {  	s19 =	sld [smem:$0x3FC8]  }
0x92: {  	s4 =	sld [smem:$0x3FC7]  }
0x93: {  	s5 =	sld [smem:$0x3FC6]  }
0x94: {  	s6 =	sld [smem:$0x3FC5]  }
0x95: {  	s7 =	sld [smem:$0x3FC4]  }
0x96: {  	s8 =	sld [smem:$0x3FD0];
	(tm) =	ssettm $0x1  }
0x97: {  	s9 =	sld [smem:$0x3FFB];
	_ =	sdelay $0x3  }
0x98: {  	_ =	strace s9  }
0x99: {  	s9 =	sld [smem:$0x3FFC];
	_ =	sdelay $0x3  }
0x9a: {  	_ =	strace s9  }
0x9b: {  	s9 =	sld [smem:$0x3FFD];
	_ =	sdelay $0x3  }
0x9c: {  	_ =	strace s9  }
0x9d: {  	_ =	strace $0x8FFFFFFF  }
0x9e: {  	s20 =	sld [smem:$0x3FDB];
	_ =	sdelay $0x1  }
0x9f: {  	s10 =	simm.s32 $_scs_section_size  }
0xa0: {  	s11 =	simm.s32 $_size__tile_overlayer_lowered;
	s12 =	simm.s32 $_tile_overlayer_lowered  }
0xa1: {  	s23 =	simm.s32 $0x1BFF;
	s22 =	sshll.u32 s12, $0x1;
	s9 =	sadd.s32 s10, s20  }
0xa2: {  	s13 =	simm.s32 $0x0;
	s21 =	sshll.u32 s11, $0x1;
	s11 =	sadd.s32 s22, s9  }
0xa3: {  	[timem:s13], [sflag:s23] =	dma.local [hbm:s11], s21  }
0xa4: {  	_ =	swait.ge [sflag:s23], s21  }
0xa5: {  	s10 =	ssub.s32 $0x0, s21;
	[sflag:s23] =	ssyncset.done $0x0  }
0xa6: {  	[sflag:s23] =	ssyncadd.s32 s10;
	_ =	sdelay $0x1  }
0xa7: {  	s24 =	simm.s32 $0x1B8B  }
0xa8: {  	_ =	swait.ge [sflag:s24], $0x1  }
0xa9: {  	[sflag:s24] =	ssyncset.done $0x0  }
0xaa: {  	s25 =	simm.s32 $0x1B8E;
	[sflag:s24] =	ssyncadd.s32 $0xFFFFFFFF  }
0xab: {  	s26 =	simm.s32 $execute0_lowered;
	[smem:$0x3FD2] =	sst s25  }
0xac: {  	s10 =	sshll.u32 s26, $0x1;
	_ =	strace $0x80000046;
	[dreg:$0x1] =	wrdreg $0xFFFFFFFF  }
0xad: {  	s28 =	simm.s32 $_size_execute0_lowered;
	s9 =	sadd.s32 s9, s10;
	[dreg:$0x0] =	wrdreg $0x0  }
0xae: {  	s10 =	sshll.u32 s28, $0x1;
	[dreg:$0x2] =	wrdreg s9  }
0xaf: {  	[dreg:$0x3] =	wrdreg s10  }
0xb0: {  	[dreg:$0x4] =	wrdreg $0xC0  }
0xb1: {  	_ =	task [dreg:s13], $0x5FFFF  }
0xb2: {  	[dreg:$0x1] =	wrdreg $0xFFFFFFFF  }
0xb3: {  	[dreg:$0x0] =	wrdreg $0x60  }
0xb4: {  	[dreg:$0x2] =	wrdreg s2  }
0xb5: {  	[dreg:$0x3] =	wrdreg s19  }
0xb6: {  	[dreg:$0x4] =	wrdreg s4  }
0xb7: {  	[dreg:$0x5] =	wrdreg s5  }
0xb8: {  	[dreg:$0x6] =	wrdreg s6  }
0xb9: {  	[dreg:$0x7] =	wrdreg s7  }
0xba: {  	[dreg:$0x8] =	wrdreg s8  }
0xbb: {  	[dreg:$0x9] =	wrdreg $0x9  }
0xbc: {  	_ =	task.clear_ibuf [dreg:s13], $0xAFFFF;
	_ =	strace $0x90000046  }
0xbd: {  	s29 =	simm.s32 $0x9;
	_ =	strace $0x80000048  }
0xbe: {  	_ =	swait.ge [sflag:s29], $0x1  }
0xbf: {  	[sflag:s29] =	ssyncadd.s32 $0xFFFFFFFF  }
0xc0: {  	_ =	strace $0x90000048  }
0xc1: {  	_ =	sfence  }
0xc2: {  	s30 =	sld [smem:$0x0];
	_ =	sdelay $0x2  }
0xc3: {  	s31 =	sshll.u32 s1, $0xD;
	s1 =	sshrl.u32 s1, $0x2  }
0xc4: {  	s3 =	sand.u32 $0x4000, s31;
	s1 =	sadd.s32 s1, s30  }
0xc5: {  	s0 =	sor.u32 s3, s0;
	s1 =	sshll.u32 s1, $0x11  }
0xc6: {  	s0 =	sor.u32 s1, s0  }
0xc7: {  	s0 =	sadd.s32 $0x8F2B, s0  }
0xc8: {  	[sflag:s0] =	ssyncadd.remote.s32 $0x1  }
0xc9: {  	_ =	sfence.sel $0xFFFF  }
0xca: {  	[dreg:$0x0] =	wrdreg $0xFFFFFFFF;
	(pc) =	sbr.abs _section_cstart, $3  }
0xcb: {  	[dreg:$0x1] =	wrdreg $0xFFFFFFFF  }
0xcc: {  	_ =	task.clear_ibuf [dreg:s13], $0x2FFFF;
	_ =	strace $0x9FFFFFFF  }
0xcd: {  	(tm) =	ssettm $0x7FFFFFFF  }
tec
execute0_lowered:
.L_overlay_start_1:
0x0: {  	(tag) =	ssettag $0x1  }
0x1: {  	s8 =	rddreg [dreg:$0x0]  }
0x2: {  	s9 =	rddreg [dreg:$0x1]  }
0x3: {  	s1 =	rddreg [dreg:$0x2]  }
0x4: {  	s3 =	rddreg [dreg:$0x4]  }
0x5: {  	s2 =	srdreg.scid;
	s5 =	rddreg [dreg:$0x5]  }
0x6: {  	s0 =	stileid.u32;
	s11 =	rddreg [dreg:$0x6];
	s7 =	simm.s32 $0x1  }
0x7: {  	s6 =	simm.s32 $0x0;
	s10 =	sand.u32 $0x1, s2;
	s2 =	rddreg [dreg:$0x3]  }
0x8: {  	s19 =	simm.s32 $0x11900;
	s20 =	simm.s32 $0x0;
	[smem:$0x7FF] =	sst s6  }
0x9: {  	s4 =	sor.u32 s10, s0;
	p1 =	seq.s32 s10, $0x1;
	s23 =	ssub.s32 $0x2, s10  }
0xa: {  	s15 =	sshll.u32 s10, $0x13;
	s26 =	sshll.u32 s10, $0xA;
	p0 =	seq.s32 s4, $0x0  }
0xb: {  	s18 =	sshll.u32 s10, $0x7;
	s4 =	rddreg [dreg:$0x7];
	p0 =	por !p0, !p1  }
0xc: {  	_ =	strace $0x80000047;
	s17 =	sshrl.u32 s23, $0x1;
	p0 =	por !p0, !p0  }
0xd: {  	s31 =	sadd.s32 $0x400, s26;
	s25 =	ssub.s32 s23, s17;
	s7 =	simm.s32 @!p0 $0x0  }
0xe: {  	s17 =	simm.s32 $0x11840;
	p0 =	seq.s32 s10, $0x0;
	s12 =	ssub.s32 s0, s7  }
0xf: {  	s7 =	simm.s32 $0x1;
	s13 =	sshrl.u32 s12, $0x3;
	s16 =	sshll.u32 s12, $0x7  }
0x10: {  	s28 =	sshll.u32 s12, $0x8;
	v0 =	vmov s12;
	s12 =	simm.s32 $0x80;
	s14 =	sshll.u32 s13, $0x14  }
0x11: {  	s24 =	sand.u32 $0x380, s16;
	s13 =	sshll.u32 s13, $0xE;
	s29 =	sor.u32 s18, s28  }
0x12: {  	s16 =	simm.s32 $0x11800;
	s18 =	simm.s32 $0x11880;
	s14 =	sor.u32 s15, s14  }
0x13: {  	s13 =	sor.u32 s24, s13;
	s30 =	sshrl.u32 s29, $0x3;
	s15 =	simm.s32 $0x10800  }
0x14: {  	v4 =	vlaneseq.u32;
	vm1 =	vmxor vm1, vm1;
	vm0 =	vmmov $0x1;
	s14 =	sor.u32 s24, s14;
	s13 =	sshrl.u32 s13, $0x3;
	s10 =	sadd.s32 s11, s30  }
0x15: {  	v1 =	vmov s26;
	v2 =	vor.u32 s26, v4;
	vm1 =	vmneg @p0 vm1;
	s11 =	smax.u32 s25, $0x1;
	s14 =	sshrl.u32 s14, $0x3;
	s9 =	sadd.s32 s9, s13  }
0x16: {  	v4 =	vmul.u32 $0x40, v4;
	v3 =	vmov s31;
	vm1 =	vmand vm1, vm0;
	s13 =	simm.s32 $0x400;
	s8 =	sadd.s32 s8, s14;
	s14 =	simm.s32 $0x10000  }
.LBB2_1:
0x17: {  	[tilespmem:s6], [sflag:$0x1] =	stream.strided.gather [hbm4b:s8+s12], $0x10000, s13, s12, $0x38;
	[tilespmem:$0x11980] =	vst v63  }
0x18: {  	_ =	swait.ge [sflag:s7], $0x10000  }
0x19: {  	[sflag:s7] =	ssyncset.done $0x0  }
0x1a: {  	[sflag:s7] =	ssyncadd.s32 $0xFFFF0000  }
0x1b: {  	[tilespmem:s14], [sflag:$0x1] =	stream.strided.gather [hbm4b:s9+s12], $0x800, s13, s12, $0x38;
	[tilespmem:$0x11980] =	vst v63  }
0x1c: {  	_ =	swait.ge [sflag:s7], $0x800  }
0x1d: {  	[sflag:s7] =	ssyncset.done $0x0  }
0x1e: {  	[sflag:s7] =	ssyncadd.s32 $0xFFFFF800  }
0x1f: {  	[tilespmem:s15], [sflag:$0x1] =	stream.linear.gather [hbm4b:s2+s6], $0x1000, $0x38;
	[tilespmem:$0x11980] =	vst v63  }
0x20: {  	_ =	swait.ge [sflag:s7], $0x1000  }
0x21: {  	[sflag:s7] =	ssyncset.done $0x0  }
0x22: {  	[sflag:s7] =	ssyncadd.s32 $0xFFFFF000  }
0x23: {  	[tilespmem:s16], [sflag:$0x1] =	stream.linear.gather [hbm4b:s3+s6], $0x40, $0x38;
	[tilespmem:$0x11980] =	vst v63  }
0x24: {  	_ =	swait.ge [sflag:s7], $0x40  }
0x25: {  	[sflag:s7] =	ssyncset.done $0x0  }
0x26: {  	[sflag:s7] =	ssyncadd.s32 $0xFFFFFFC0  }
0x27: {  	v5 =	vor.u32 s6, v2;
	[tilespmem:s17], [sflag:$0x1] =	stream.linear.gather [hbm4b:s5+s6], $0x40, $0x38;
	[tilespmem:$0x11980] =	vst v63  }
0x28: {  	vm2 =	vgt.s32 v5, $0x1;
	_ =	swait.ge [sflag:s7], $0x40  }
0x29: {  	v6 =	vnsel vm2, $0x1, v5;
	[sflag:s7] =	ssyncset.done $0x0  }
0x2a: {  	s22 =	simm.s32 $0x10;
	v6 =	vadd.s32 $0xFFFFFFFF, v6;
	[sflag:s7] =	ssyncadd.s32 $0xFFFFFFC0  }
0x2b: {  	[tilespmem:s18], [sflag:$0x1] =	stream.linear.gather [hbm4b:s1+s6], $0x10, $0x38;
	[tilespmem:$0x11980] =	vst v63  }
0x2c: {  	v7 =	vor.u32 s22, v2;
	_ =	swait.ge [sflag:s7], $0x10  }
0x2d: {  	vm2 =	vgt.s32 v7, $0x1;
	[sflag:s7] =	ssyncset.done $0x0  }
0x2e: {  	v8 =	vnsel vm2, $0x1, v7;
	[sflag:s7] =	ssyncadd.s32 $0xFFFFFFF0  }
0x2f: {  	v8 =	vadd.s32 $0xFFFFFFFF, v8;
	v6 =	vld.idx.msk [tilespmem:v6+s14+$0x0], $0xffff  }
0x30: {  	v9 =	vld.idx.msk [tilespmem:v5+s14+$0x0], $0xffff;
	_ =	sdelay $0x1  }
0x31: {  	v10 =	vmov s6  }
0x32: {  	s21 =	simm.s32 $0x20;
	v10 =	vshll.u32 v10, $0x6  }
0x33: {  	v10 =	vor.u32 v4, v10;
	v13 =	vld.idx.msk [tilespmem:v8+s14+$0x0], $0xffff;
	v8 =	vor.u32 s21, v2  }
0x34: {  	vm2 =	vgt.s32 v8, $0x1;
	v6 =	vshll.u32 v6, $0x6;
	v18 =	vadd.s32 v9, v10  }
0x35: {  	v10 =	vnsel vm2, $0x1, v8;
	v11 =	vadd.s32 v9, v6  }
0x36: {  	v14 =	vld.idx.msk [tilespmem:v7+s14+$0x0], $0xffff;
	v15 =	vadd.s32 $0xFFFFFFFF, v10;
	_ =	sdelay $0x1  }
0x37: {  	v6 =	vld.idx.msk [tilespmem:v0+s18+$0x0], $0xffff;
	v9 =	vmov s22  }
0x38: {  	v17 =	vshll.u32 v13, $0x6;
	s22 =	simm.s32 $0x30;
	v12 =	vshll.u32 v9, $0x6;
	v9 =	vimm.f32 $0.0e+00;
	v13 =	vld.idx.msk [tilespmem:v18+s6+$0x0], $0xffff  }
0x39: {  	s23 =	simm.s32 $0x40;
	v10 =	vor.u32 s22, v2;
	v16 =	vor.u32 v4, v12;
	v12 =	vld.idx.msk [tilespmem:v11+s15+$0x0], $0xffff;
	v11 =	vimm.f32 $0.0e+00  }
.LBB2_2:
0x3a: {  	p0 =	sne.s32 s23, $0x3F0;
	vm2 =	vgt.s32 v10, $0x1;
	v18 =	vld.idx.msk [tilespmem:v15+s14+$0x0], $0xffff;
	v19 =	vadd.s32 v14, v16;
	v17 =	vadd.s32 v14, v17  }
0x3b: {  	v15 =	vnsel vm2, $0x1, v10;
	v14 =	vld.idx.msk [tilespmem:v8+s14+$0x0], $0xffff  }
.Ltmp0:
0x3c: {  	vm3 =	vne.s32 v5, $0x0;
	vm2 =	vlt.s32 v5, v6;
	v5 =	vmovc v7;
	v7 =	vmovc v8;
	v15 =	vadd.s32 $0xFFFFFFFF, v15;
	(pc) =	sbr.rel @p0 .LBB2_2-.Ltmp0, $4  }
0x3d: {  	v16 =	vmov s21;
	s21 =	smov.u32 s22;
	s22 =	smov.u32 s23;
	v8 =	vmov v10;
	vm3 =	vmand vm3, vm2  }
0x3e: {  	v10 =	vshll.u32 v16, $0x6;
	v20 =	vnsel vm3, $0x0, v12  }
0x3f: {  	v16 =	vor.u32 v4, v10;
	v21 =	vnsel vm2, $0x0, v13;
	v9 =	vadd.f32 v20, v9;
	v12 =	vld.idx.msk [tilespmem:v17+s15+$0x0], $0xffff  }
0x40: {  	s23 =	sadd.s32 $0x10, s23;
	v10 =	vor.u32 s22, v2;
	v17 =	vshll.u32 v18, $0x6;
	v11 =	vadd.f32 v21, v11;
	v13 =	vld.idx.msk [tilespmem:v19+s6+$0x0], $0xffff  }
0x41: {  	vm2 =	vgt.s32 v10, $0x1  }
0x42: {  	v18 =	vnsel vm2, $0x1, v10  }
0x43: {  	v18 =	vadd.s32 $0xFFFFFFFF, v18;
	_ =	sdelay $0x1  }
0x44: {  	v15 =	vld.idx.msk [tilespmem:v15+s14+$0x0], $0xffff  }
0x45: {  	v19 =	vld.idx.msk [tilespmem:v8+s14+$0x0], $0xffff  }
0x46: {  	v51 =	vld.idx.msk [tilespmem:v10+s14+$0x0], $0xffff  }
0x47: {  	v17 =	vadd.s32 v14, v17;
	v18 =	vld.idx.msk [tilespmem:v18+s14+$0x0], $0xffff  }
0x48: {  	v50 =	vadd.s32 v14, v16;
	v20 =	vmov s21;
	v21 =	vadd.s32 $0xFFFFFFFF, v6  }
0x49: {  	v22 =	vmov s22;
	v20 =	vshll.u32 v20, $0x6;
	v15 =	vshll.u32 v15, $0x6  }
0x4a: {  	v52 =	vshll.u32 v22, $0x6;
	v20 =	vor.u32 v4, v20;
	v15 =	vadd.s32 v19, v15  }
0x4b: {  	vm3 =	vne.s32 v5, $0x0;
	v53 =	vld.msk [tilespmem:s14+$0x0], $0xffff;
	v19 =	vadd.s32 v19, v20;
	v20 =	vor.u32 v4, v52  }
0x4c: {  	vm2 =	vlt.s32 v5, v6;
	v17 =	vld.idx.msk [tilespmem:v17+s15+$0x0], $0xffff;
	v5 =	vadd.s32 v51, v20;
	v18 =	vshll.u32 v18, $0x6  }
0x4d: {  	v14 =	vld.idx.msk [tilespmem:v50+s6+$0x0], $0xffff;
	v18 =	vadd.s32 v51, v18  }
0x4e: {  	v54 =	vld.idx.msk [tilespmem:v21+s14+$0x0], $0xffff  }
0x4f: {  	vm4 =	vne.s32 v7, $0x0;
	vm3 =	vmand vm3, vm2;
	v15 =	vld.idx.msk [tilespmem:v15+s15+$0x0], $0xffff  }
0x50: {  	vm15 =	vne.s32 v8, $0x0;
	v12 =	vnsel vm3, $0x0, v12;
	vm3 =	vlt.s32 v7, v6;
	v55 =	vld.idx.msk [tilespmem:v19+s6+$0x0], $0xffff  }
0x51: {  	v7 =	vnsel vm2, $0x0, v13;
	v9 =	vadd.f32 v12, v9;
	vm2 =	vmand vm4, vm3;
	v5 =	vld.idx.msk [tilespmem:v5+s6+$0x0], $0xffff  }
0x52: {  	v7 =	vadd.f32 v7, v11;
	v57 =	vnsel vm2, $0x0, v17;
	vm2 =	vlt.s32 v8, v6;
	v56 =	vld.idx.msk [tilespmem:v18+s15+$0x0], $0xffff  }
0x53: {  	v58 =	vnsel vm3, $0x0, v14;
	v59 =	vadd.s32 $0x40, v54;
	vm3 =	vmand vm15, vm2  }
0x54: {  	v9 =	vadd.f32 v57, v9;
	v7 =	vadd.f32 v58, v7;
	v60 =	vnsel vm3, $0x0, v15  }
0x55: {  	v61 =	vnsel vm2, $0x0, v55;
	vm2 =	vlt.s32 v10, v6;
	vm3 =	vne.s32 v10, $0x0  }
0x56: {  	v62 =	vld.idx.msk [tilespmem:v53+s16+$0x0], $0xffff;
	v6 =	vadd.f32 v60, v9;
	v7 =	vadd.f32 v61, v7;
	vm3 =	vmand vm3, vm2  }
0x57: {  	v5 =	vnsel vm2, $0x0, v5;
	v63 =	vnsel vm3, $0x0, v56  }
0x58: {  	v5 =	vadd.f32 v5, v7;
	v7 =	vld.idx.msk [tilespmem:v59+s16+$0x0], $0xffff;
	v6 =	vadd.f32 v63, v6;
	_ =	sdelay $0x1  }
0x59: {  	vm2 =	vge.s32 v21, v1;
	vm3 =	vlt.s32 v21, v3;
	v5 =	vadd.f32 v6, v5  }
0x5a: {  	vm2 =	vmand vm2, vm3;
	v6 =	vnsel vm1, $0x0, v62  }
0x5b: {  	vm2 =	vmand vm2, vm0;
	v5 =	vadd.f32 v6, v5  }
0x5c: {  	v6 =	vnsel vm2, $0x0, v7  }
0x5d: {  	s20 =	sadd.s32 $0x1, s20;
	v5 =	vadd.f32 v6, v5  }
0x5e: {  	p0 =	sne.s32 s20, s11  }
.Ltmp1:
0x5f: {  	[tilespmem:$0x11900] =	vst v5;
	(pc) =	sbr.rel @p0 .LBB2_1-.Ltmp1, $4  }
0x60: {  	[hbm4b:s10+s6] =	stream.linear.scatter [tilespmem:s19], [sflag:$0x1], $0x80, $0x38;
	[tilespmem:$0x11980] =	vst v63  }
0x61: {  	_ =	swait.ge [sflag:s7], $0x80  }
0x62: {  	[sflag:s7] =	ssyncset.done $0x0  }
0x63: {  	[sflag:s7] =	ssyncadd.s32 $0xFFFFFF80  }
0x64: {  	_ =	sfence.sel $0x180000  }
0x65: {  	[bflag:$0x0] =	sbarrier.arrive $0xFFFF  }
0x66: {  	p0 =	sne.s32 s0, $0x0;
	_ =	strace $0x90000047  }
0x67: {  	s0 =	sadd.s32 @!p0 $0x100000, s4;
	[bflag:$0x2] =	sbarrier.arrive $0xFFFF  }
0x68: {  	[sflag:s0] =	ssyncadd.tile.s32 @!p0 $0x1;
	_ =	shalt  }
.Lfunc_end2:
_tile_overlayer_lowered:
.L_overlay_start_2:
0x69: {  	(tag) =	ssettag $0x2  }
0x6a: {  	s0 =	rddreg [dreg:$0x0];
	s2 =	stileid.u32  }
0x6b: {  	s1 =	rddreg [dreg:$0x1];
	p0 =	sne.s32 s2, $0x0  }
0x6c: {  	s3 =	rddreg [dreg:$0x2];
	[bflag:$0x3] =	sbarrier.arrive $0xFFFF;
	s2 =	simm.s32 @!p0 $0x1C01  }
0x6d: {  	[timem:s3], [sflag:s2] =	dma.local @!p0 [hbm:s0], s1  }
0x6e: {  	s0 =	simm.s32 @!p0 $0x1  }
0x6f: {  	_ =	swait.ge @!p0 [sflag:s0], s1  }
0x70: {  	s1 =	ssub.s32 @!p0 $0x0, s1;
	[sflag:s0] =	ssyncset.done @!p0 $0x0  }
0x71: {  	[sflag:s0] =	ssyncadd.s32 @!p0 s1  }
0x72: {  	[bflag:$0x3] =	sbarrier.arrive $0xFFFF  }
0x73: {  	_ =	shalt  }

</sc_bundles>
